<compile_context>
chip_gen: v7x
topology: tpu7x:2x2x1
jax: 0.10.2.dev20260603
libtpu: 0.0.44.dev20260713+nightly
codegen_flags: <defaults>
</compile_context>

<pallas_src>
import functools

import jax
import jax.numpy as jnp
from jax import lax
from jax.experimental import pallas as pl
from jax.experimental.pallas import tpu as pltpu
from jax.experimental.pallas import tpu_sc as plsc

HIDDEN = 128
BATCH = 16384

_info = plsc.get_sparse_core_info()
_NC, _NS = _info.num_cores, _info.num_subcores
_NW = _NC * _NS
_BPW = BATCH // _NW
_CHUNK = 128
_NCHUNK = _BPW // _CHUNK

_mesh = plsc.VectorSubcoreMesh(core_axis_name="c", subcore_axis_name="s")


@functools.partial(
    pl.kernel,
    mesh=_mesh,
    out_type=jax.ShapeDtypeStruct((BATCH // _CHUNK, _CHUNK, HIDDEN), jnp.float32),
    scratch_types=[
        pltpu.VMEM((_NCHUNK, _CHUNK), jnp.int32),
        pltpu.VMEM_SHARED((4, HIDDEN), jnp.float32),
        pltpu.VMEM((_NCHUNK, _CHUNK, HIDDEN), jnp.float32),
        pltpu.SemaphoreType.DMA,
        pltpu.SemaphoreType.DMA,
        pltpu.SemaphoreType.DMA,
    ],
)
def _emb_lookup(idx_hbm, table_hbm, out_hbm, idx_v, table_sh, rows_v, gsem, ssem, psem):
    wid = lax.axis_index("s") * _NC + lax.axis_index("c")
    base = wid * _NCHUNK
    pltpu.async_copy(table_hbm, table_sh, psem)
    pltpu.async_copy(idx_hbm.at[pl.ds(base, _NCHUNK)], idx_v, psem)
    pltpu.make_async_copy(table_hbm, table_sh, psem).wait()
    pltpu.make_async_copy(idx_hbm.at[pl.ds(base, _NCHUNK)], idx_v, psem).wait()
    pltpu.async_copy(table_sh.at[idx_v.at[0]], rows_v.at[0], gsem)
    for j in range(_NCHUNK):
        pltpu.make_async_copy(table_sh.at[idx_v.at[j]], rows_v.at[j], gsem).wait()
        if j + 1 < _NCHUNK:
            pltpu.async_copy(table_sh.at[idx_v.at[j + 1]], rows_v.at[j + 1], gsem)
        pltpu.async_copy(rows_v.at[j], out_hbm.at[base + j], ssem)
    for j in range(_NCHUNK):
        pltpu.make_async_copy(rows_v.at[j], out_hbm.at[base + j], ssem).wait()


def kernel(session_types, session_emb_weight):
    idx = session_types.astype(jnp.int32).reshape(BATCH // _CHUNK, _CHUNK)
    out = _emb_lookup(idx, session_emb_weight)
    return out.reshape(BATCH, HIDDEN)

# --- scband reference (transcript-rebuilt; emitter-appended) ---
"""Pipeline reference for scband-session-type-embedding-54185307406991 (READ-ONLY COPY).

The authoritative reference and input builder live on the scoring server;
editing this copy changes nothing except your own understanding.
"""

import jax, jax.numpy as jnp
import numpy as np

HIDDEN_DIM = 128
NUM_SESSION_TYPES = 4
BATCH = 16384

def setup_inputs(seed: int = 0) -> dict:
    key = jax.random.key(seed)
    k_idx, k_w = jax.random.split(key)
    session_types = jax.random.randint(k_idx, (BATCH,), 0, NUM_SESSION_TYPES, dtype=jnp.int64 if jax.config.read('jax_enable_x64') else jnp.int32)
    session_emb_weight = jax.random.normal(k_w, (NUM_SESSION_TYPES, HIDDEN_DIM), dtype=jnp.float32) * 0.02
    return {"session_types": session_types, "session_emb_weight": session_emb_weight}

def reference(session_types, session_emb_weight):
    # nn.Embedding lookup: table[idx]
    return jnp.take(session_emb_weight, session_types, axis=0)

if __name__ == "__main__":
    import jax
    _d = setup_inputs()
    print(jax.jit(kernel)(*tuple(_d.values())))

</pallas_src>

<mosaic_0001>
#map = affine_map<(d0, d1) -> (0, 0)>
#map1 = affine_map<(d0, d1) -> (0, 0, 0)>
module attributes {stable_mosaic.version = 14 : i64} {
  func.func @_emb_lookup(%arg0: i32, %arg1: i32, %arg2: memref<128x128xi32, #tpu.memory_space<hbm>>, %arg3: memref<4x128xf32, #tpu.memory_space<hbm>>, %arg4: memref<128x128x128xf32, #tpu.memory_space<hbm>>, %arg5: memref<4x128xi32, #tpu.memory_space<vmem>>, %arg6: memref<4x128xf32, #tpu.memory_space<vmem_shared>>, %arg7: memref<4x128x128xf32, #tpu.memory_space<vmem>>, %arg8: memref<!tpu.dma_semaphore, #tpu.memory_space<semaphore_mem>>, %arg9: memref<!tpu.dma_semaphore, #tpu.memory_space<semaphore_mem>>, %arg10: memref<!tpu.dma_semaphore, #tpu.memory_space<semaphore_mem>>) attributes {dimension_semantics = [#tpu.dimension_semantics<core_parallel>, #tpu.dimension_semantics<subcore_parallel>], iteration_bounds = array<i64: 2, 16>, scalar_prefetch = 0 : i64, scratch_operands = 6 : i64, tpu.core_type = #tpu.core_type<sc_vector_subcore>, window_params = [{transform_indices = #map}, {transform_indices = #map}, {transform_indices = #map1}]} {
    %mul3A = arith.constant 2 : i32
    %mul3A_0 = arith.muli %arg1, %mul3A : i32
    %add3A = arith.addi %mul3A_0, %arg0 : i32
    %mul3A_1 = arith.constant 4 : i32
    %mul3A_2 = arith.muli %add3A, %mul3A_1 : i32
    tpu.enqueue_dma source(%arg3 : memref<4x128xf32, #tpu.memory_space<hbm>>) target(%arg6 : memref<4x128xf32, #tpu.memory_space<vmem_shared>>) target_semaphore(%arg10 : memref<!tpu.dma_semaphore, #tpu.memory_space<semaphore_mem>>)
    %dma_start3A = arith.constant 0 : i32
    %dma_start3A_3 = tpu.memref_slice %arg2[%mul3A_2, %dma_start3A] : memref<128x128xi32, #tpu.memory_space<hbm>> -> memref<4x128xi32, #tpu.memory_space<hbm>>
    %dma_start3A_4 = arith.constant 0 : i32
    %dma_start3A_5 = tpu.memref_slice %arg2[%mul3A_2, %dma_start3A_4] : memref<128x128xi32, #tpu.memory_space<hbm>> -> memref<4x128xi32, #tpu.memory_space<hbm>>
    tpu.enqueue_dma source(%dma_start3A_5 : memref<4x128xi32, #tpu.memory_space<hbm>>) target(%arg5 : memref<4x128xi32, #tpu.memory_space<vmem>>) target_semaphore(%arg10 : memref<!tpu.dma_semaphore, #tpu.memory_space<semaphore_mem>>)
    tpu.wait_dma2 semaphore(%arg10 : memref<!tpu.dma_semaphore, #tpu.memory_space<semaphore_mem>>) src(%arg3 : memref<4x128xf32, #tpu.memory_space<hbm>>) dst(%arg6 : memref<4x128xf32, #tpu.memory_space<vmem_shared>>)
    %dma_wait3A = arith.constant 0 : i32
    %dma_wait3A_6 = tpu.memref_slice %arg2[%mul3A_2, %dma_wait3A] : memref<128x128xi32, #tpu.memory_space<hbm>> -> memref<4x128xi32, #tpu.memory_space<hbm>>
    %dma_wait3A_7 = arith.constant 0 : i32
    %dma_wait3A_8 = tpu.memref_slice %arg2[%mul3A_2, %dma_wait3A_7] : memref<128x128xi32, #tpu.memory_space<hbm>> -> memref<4x128xi32, #tpu.memory_space<hbm>>
    tpu.wait_dma2 semaphore(%arg10 : memref<!tpu.dma_semaphore, #tpu.memory_space<semaphore_mem>>) src(%dma_wait3A_8 : memref<4x128xi32, #tpu.memory_space<hbm>>) dst(%arg5 : memref<4x128xi32, #tpu.memory_space<vmem>>)
    %dma_start3A_9 = arith.constant 0 : i32
    %dma_start3A_10 = arith.constant 0 : i32
    %dma_start3A_11 = arith.constant 0 : i32
    %dma_start3A_12 = arith.constant 0 : i32
    %dma_start3A_13 = tpu.memref_slice %arg7[%dma_start3A_10, %dma_start3A_11, %dma_start3A_12] : memref<4x128x128xf32, #tpu.memory_space<vmem>> -> memref<1x128x128xf32, #tpu.memory_space<vmem>>
    %dma_start3A_14 = tpu.memref_squeeze %dma_start3A_13 : memref<1x128x128xf32, #tpu.memory_space<vmem>> -> memref<128x128xf32, #tpu.memory_space<vmem>>
    %dma_start3A_15 = arith.constant 0 : i32
    %dma_start3A_16 = tpu.memref_slice %arg5[%dma_start3A_9, %dma_start3A_15] : memref<4x128xi32, #tpu.memory_space<vmem>> -> memref<1x128xi32, #tpu.memory_space<vmem>>
    %dma_start3A_17 = tpu.memref_squeeze %dma_start3A_16 : memref<1x128xi32, #tpu.memory_space<vmem>> -> memref<128xi32, #tpu.memory_space<vmem>>
    %dma_start3A_18 = arith.constant 0 : i32
    %dma_start3A_19 = arith.constant 0 : i32
    %dma_start3A_20 = tpu.memref_slice %arg6[%dma_start3A_18, %dma_start3A_19] : memref<4x128xf32, #tpu.memory_space<vmem_shared>> -> memref<4x128xf32, #tpu.memory_space<vmem_shared>>
    tpu.enqueue_indirect_dma source(%dma_start3A_20 : memref<4x128xf32, #tpu.memory_space<vmem_shared>>) target(%dma_start3A_14 : memref<128x128xf32, #tpu.memory_space<vmem>>) offsets(%dma_start3A_17 : memref<128xi32, #tpu.memory_space<vmem>>) semaphore(%arg8 : memref<!tpu.dma_semaphore, #tpu.memory_space<semaphore_mem>>)
    %dma_wait3A_21 = arith.constant 0 : i32
    %dma_wait3A_22 = arith.constant 0 : i32
    %dma_wait3A_23 = arith.constant 0 : i32
    %dma_wait3A_24 = arith.constant 0 : i32
    %dma_wait3A_25 = tpu.memref_slice %arg7[%dma_wait3A_22, %dma_wait3A_23, %dma_wait3A_24] : memref<4x128x128xf32, #tpu.memory_space<vmem>> -> memref<1x128x128xf32, #tpu.memory_space<vmem>>
    %dma_wait3A_26 = tpu.memref_squeeze %dma_wait3A_25 : memref<1x128x128xf32, #tpu.memory_space<vmem>> -> memref<128x128xf32, #tpu.memory_space<vmem>>
    %dma_wait3A_27 = arith.constant 0 : i32
    %dma_wait3A_28 = tpu.memref_slice %arg5[%dma_wait3A_21, %dma_wait3A_27] : memref<4x128xi32, #tpu.memory_space<vmem>> -> memref<1x128xi32, #tpu.memory_space<vmem>>
    %dma_wait3A_29 = tpu.memref_squeeze %dma_wait3A_28 : memref<1x128xi32, #tpu.memory_space<vmem>> -> memref<128xi32, #tpu.memory_space<vmem>>
    %dma_wait3A_30 = arith.constant 0 : i32
    %dma_wait3A_31 = arith.constant 0 : i32
    %dma_wait3A_32 = tpu.memref_slice %arg6[%dma_wait3A_30, %dma_wait3A_31] : memref<4x128xf32, #tpu.memory_space<vmem_shared>> -> memref<4x128xf32, #tpu.memory_space<vmem_shared>>
    tpu.wait_indirect_dma semaphore(%arg8 : memref<!tpu.dma_semaphore, #tpu.memory_space<semaphore_mem>>) src(%dma_wait3A_32 : memref<4x128xf32, #tpu.memory_space<vmem_shared>>) dst(%dma_wait3A_26 : memref<128x128xf32, #tpu.memory_space<vmem>>)
    %dma_start3A_33 = arith.constant 1 : i32
    %dma_start3A_34 = arith.constant 1 : i32
    %dma_start3A_35 = arith.constant 0 : i32
    %dma_start3A_36 = arith.constant 0 : i32
    %dma_start3A_37 = tpu.memref_slice %arg7[%dma_start3A_34, %dma_start3A_35, %dma_start3A_36] : memref<4x128x128xf32, #tpu.memory_space<vmem>> -> memref<1x128x128xf32, #tpu.memory_space<vmem>>
    %dma_start3A_38 = tpu.memref_squeeze %dma_start3A_37 : memref<1x128x128xf32, #tpu.memory_space<vmem>> -> memref<128x128xf32, #tpu.memory_space<vmem>>
    %dma_start3A_39 = arith.constant 0 : i32
    %dma_start3A_40 = tpu.memref_slice %arg5[%dma_start3A_33, %dma_start3A_39] : memref<4x128xi32, #tpu.memory_space<vmem>> -> memref<1x128xi32, #tpu.memory_space<vmem>>
    %dma_start3A_41 = tpu.memref_squeeze %dma_start3A_40 : memref<1x128xi32, #tpu.memory_space<vmem>> -> memref<128xi32, #tpu.memory_space<vmem>>
    %dma_start3A_42 = arith.constant 0 : i32
    %dma_start3A_43 = arith.constant 0 : i32
    %dma_start3A_44 = tpu.memref_slice %arg6[%dma_start3A_42, %dma_start3A_43] : memref<4x128xf32, #tpu.memory_space<vmem_shared>> -> memref<4x128xf32, #tpu.memory_space<vmem_shared>>
    tpu.enqueue_indirect_dma source(%dma_start3A_44 : memref<4x128xf32, #tpu.memory_space<vmem_shared>>) target(%dma_start3A_38 : memref<128x128xf32, #tpu.memory_space<vmem>>) offsets(%dma_start3A_41 : memref<128xi32, #tpu.memory_space<vmem>>) semaphore(%arg8 : memref<!tpu.dma_semaphore, #tpu.memory_space<semaphore_mem>>)
    %add3A_45 = arith.constant 0 : i32
    %add3A_46 = arith.addi %mul3A_2, %add3A_45 : i32
    %dma_start3A_47 = arith.constant 0 : i32
    %dma_start3A_48 = arith.constant 0 : i32
    %dma_start3A_49 = arith.constant 0 : i32
    %dma_start3A_50 = tpu.memref_slice %arg7[%dma_start3A_47, %dma_start3A_48, %dma_start3A_49] : memref<4x128x128xf32, #tpu.memory_space<vmem>> -> memref<1x128x128xf32, #tpu.memory_space<vmem>>
    %dma_start3A_51 = tpu.memref_squeeze %dma_start3A_50 : memref<1x128x128xf32, #tpu.memory_space<vmem>> -> memref<128x128xf32, #tpu.memory_space<vmem>>
    %dma_start3A_52 = arith.constant 0 : i32
    %dma_start3A_53 = arith.constant 0 : i32
    %dma_start3A_54 = tpu.memref_slice %arg4[%add3A_46, %dma_start3A_52, %dma_start3A_53] : memref<128x128x128xf32, #tpu.memory_space<hbm>> -> memref<1x128x128xf32, #tpu.memory_space<hbm>>
    %dma_start3A_55 = tpu.memref_squeeze %dma_start3A_54 : memref<1x128x128xf32, #tpu.memory_space<hbm>> -> memref<128x128xf32, #tpu.memory_space<hbm>>
    %dma_start3A_56 = arith.constant 0 : i32
    %dma_start3A_57 = arith.constant 0 : i32
    %dma_start3A_58 = tpu.memref_slice %arg4[%add3A_46, %dma_start3A_56, %dma_start3A_57] : memref<128x128x128xf32, #tpu.memory_space<hbm>> -> memref<1x128x128xf32, #tpu.memory_space<hbm>>
    %dma_start3A_59 = tpu.memref_squeeze %dma_start3A_58 : memref<1x128x128xf32, #tpu.memory_space<hbm>> -> memref<128x128xf32, #tpu.memory_space<hbm>>
    %dma_start3A_60 = arith.constant 0 : i32
    %dma_start3A_61 = arith.constant 0 : i32
    %dma_start3A_62 = tpu.memref_slice %arg7[%dma_start3A_47, %dma_start3A_60, %dma_start3A_61] : memref<4x128x128xf32, #tpu.memory_space<vmem>> -> memref<1x128x128xf32, #tpu.memory_space<vmem>>
    %dma_start3A_63 = tpu.memref_squeeze %dma_start3A_62 : memref<1x128x128xf32, #tpu.memory_space<vmem>> -> memref<128x128xf32, #tpu.memory_space<vmem>>
    tpu.enqueue_dma source(%dma_start3A_63 : memref<128x128xf32, #tpu.memory_space<vmem>>) target(%dma_start3A_59 : memref<128x128xf32, #tpu.memory_space<hbm>>) target_semaphore(%arg9 : memref<!tpu.dma_semaphore, #tpu.memory_space<semaphore_mem>>)
    %dma_wait3A_64 = arith.constant 1 : i32
    %dma_wait3A_65 = arith.constant 1 : i32
    %dma_wait3A_66 = arith.constant 0 : i32
    %dma_wait3A_67 = arith.constant 0 : i32
    %dma_wait3A_68 = tpu.memref_slice %arg7[%dma_wait3A_65, %dma_wait3A_66, %dma_wait3A_67] : memref<4x128x128xf32, #tpu.memory_space<vmem>> -> memref<1x128x128xf32, #tpu.memory_space<vmem>>
    %dma_wait3A_69 = tpu.memref_squeeze %dma_wait3A_68 : memref<1x128x128xf32, #tpu.memory_space<vmem>> -> memref<128x128xf32, #tpu.memory_space<vmem>>
    %dma_wait3A_70 = arith.constant 0 : i32
    %dma_wait3A_71 = tpu.memref_slice %arg5[%dma_wait3A_64, %dma_wait3A_70] : memref<4x128xi32, #tpu.memory_space<vmem>> -> memref<1x128xi32, #tpu.memory_space<vmem>>
    %dma_wait3A_72 = tpu.memref_squeeze %dma_wait3A_71 : memref<1x128xi32, #tpu.memory_space<vmem>> -> memref<128xi32, #tpu.memory_space<vmem>>
    %dma_wait3A_73 = arith.constant 0 : i32
    %dma_wait3A_74 = arith.constant 0 : i32
    %dma_wait3A_75 = tpu.memref_slice %arg6[%dma_wait3A_73, %dma_wait3A_74] : memref<4x128xf32, #tpu.memory_space<vmem_shared>> -> memref<4x128xf32, #tpu.memory_space<vmem_shared>>
    tpu.wait_indirect_dma semaphore(%arg8 : memref<!tpu.dma_semaphore, #tpu.memory_space<semaphore_mem>>) src(%dma_wait3A_75 : memref<4x128xf32, #tpu.memory_space<vmem_shared>>) dst(%dma_wait3A_69 : memref<128x128xf32, #tpu.memory_space<vmem>>)
    %dma_start3A_76 = arith.constant 2 : i32
    %dma_start3A_77 = arith.constant 2 : i32
    %dma_start3A_78 = arith.constant 0 : i32
    %dma_start3A_79 = arith.constant 0 : i32
    %dma_start3A_80 = tpu.memref_slice %arg7[%dma_start3A_77, %dma_start3A_78, %dma_start3A_79] : memref<4x128x128xf32, #tpu.memory_space<vmem>> -> memref<1x128x128xf32, #tpu.memory_space<vmem>>
    %dma_start3A_81 = tpu.memref_squeeze %dma_start3A_80 : memref<1x128x128xf32, #tpu.memory_space<vmem>> -> memref<128x128xf32, #tpu.memory_space<vmem>>
    %dma_start3A_82 = arith.constant 0 : i32
    %dma_start3A_83 = tpu.memref_slice %arg5[%dma_start3A_76, %dma_start3A_82] : memref<4x128xi32, #tpu.memory_space<vmem>> -> memref<1x128xi32, #tpu.memory_space<vmem>>
    %dma_start3A_84 = tpu.memref_squeeze %dma_start3A_83 : memref<1x128xi32, #tpu.memory_space<vmem>> -> memref<128xi32, #tpu.memory_space<vmem>>
    %dma_start3A_85 = arith.constant 0 : i32
    %dma_start3A_86 = arith.constant 0 : i32
    %dma_start3A_87 = tpu.memref_slice %arg6[%dma_start3A_85, %dma_start3A_86] : memref<4x128xf32, #tpu.memory_space<vmem_shared>> -> memref<4x128xf32, #tpu.memory_space<vmem_shared>>
    tpu.enqueue_indirect_dma source(%dma_start3A_87 : memref<4x128xf32, #tpu.memory_space<vmem_shared>>) target(%dma_start3A_81 : memref<128x128xf32, #tpu.memory_space<vmem>>) offsets(%dma_start3A_84 : memref<128xi32, #tpu.memory_space<vmem>>) semaphore(%arg8 : memref<!tpu.dma_semaphore, #tpu.memory_space<semaphore_mem>>)
    %add3A_88 = arith.constant 1 : i32
    %add3A_89 = arith.addi %mul3A_2, %add3A_88 : i32
    %dma_start3A_90 = arith.constant 1 : i32
    %dma_start3A_91 = arith.constant 0 : i32
    %dma_start3A_92 = arith.constant 0 : i32
    %dma_start3A_93 = tpu.memref_slice %arg7[%dma_start3A_90, %dma_start3A_91, %dma_start3A_92] : memref<4x128x128xf32, #tpu.memory_space<vmem>> -> memref<1x128x128xf32, #tpu.memory_space<vmem>>
    %dma_start3A_94 = tpu.memref_squeeze %dma_start3A_93 : memref<1x128x128xf32, #tpu.memory_space<vmem>> -> memref<128x128xf32, #tpu.memory_space<vmem>>
    %dma_start3A_95 = arith.constant 0 : i32
    %dma_start3A_96 = arith.constant 0 : i32
    %dma_start3A_97 = tpu.memref_slice %arg4[%add3A_89, %dma_start3A_95, %dma_start3A_96] : memref<128x128x128xf32, #tpu.memory_space<hbm>> -> memref<1x128x128xf32, #tpu.memory_space<hbm>>
    %dma_start3A_98 = tpu.memref_squeeze %dma_start3A_97 : memref<1x128x128xf32, #tpu.memory_space<hbm>> -> memref<128x128xf32, #tpu.memory_space<hbm>>
    %dma_start3A_99 = arith.constant 0 : i32
    %dma_start3A_100 = arith.constant 0 : i32
    %dma_start3A_101 = tpu.memref_slice %arg4[%add3A_89, %dma_start3A_99, %dma_start3A_100] : memref<128x128x128xf32, #tpu.memory_space<hbm>> -> memref<1x128x128xf32, #tpu.memory_space<hbm>>
    %dma_start3A_102 = tpu.memref_squeeze %dma_start3A_101 : memref<1x128x128xf32, #tpu.memory_space<hbm>> -> memref<128x128xf32, #tpu.memory_space<hbm>>
    %dma_start3A_103 = arith.constant 0 : i32
    %dma_start3A_104 = arith.constant 0 : i32
    %dma_start3A_105 = tpu.memref_slice %arg7[%dma_start3A_90, %dma_start3A_103, %dma_start3A_104] : memref<4x128x128xf32, #tpu.memory_space<vmem>> -> memref<1x128x128xf32, #tpu.memory_space<vmem>>
    %dma_start3A_106 = tpu.memref_squeeze %dma_start3A_105 : memref<1x128x128xf32, #tpu.memory_space<vmem>> -> memref<128x128xf32, #tpu.memory_space<vmem>>
    tpu.enqueue_dma source(%dma_start3A_106 : memref<128x128xf32, #tpu.memory_space<vmem>>) target(%dma_start3A_102 : memref<128x128xf32, #tpu.memory_space<hbm>>) target_semaphore(%arg9 : memref<!tpu.dma_semaphore, #tpu.memory_space<semaphore_mem>>)
    %dma_wait3A_107 = arith.constant 2 : i32
    %dma_wait3A_108 = arith.constant 2 : i32
    %dma_wait3A_109 = arith.constant 0 : i32
    %dma_wait3A_110 = arith.constant 0 : i32
    %dma_wait3A_111 = tpu.memref_slice %arg7[%dma_wait3A_108, %dma_wait3A_109, %dma_wait3A_110] : memref<4x128x128xf32, #tpu.memory_space<vmem>> -> memref<1x128x128xf32, #tpu.memory_space<vmem>>
    %dma_wait3A_112 = tpu.memref_squeeze %dma_wait3A_111 : memref<1x128x128xf32, #tpu.memory_space<vmem>> -> memref<128x128xf32, #tpu.memory_space<vmem>>
    %dma_wait3A_113 = arith.constant 0 : i32
    %dma_wait3A_114 = tpu.memref_slice %arg5[%dma_wait3A_107, %dma_wait3A_113] : memref<4x128xi32, #tpu.memory_space<vmem>> -> memref<1x128xi32, #tpu.memory_space<vmem>>
    %dma_wait3A_115 = tpu.memref_squeeze %dma_wait3A_114 : memref<1x128xi32, #tpu.memory_space<vmem>> -> memref<128xi32, #tpu.memory_space<vmem>>
    %dma_wait3A_116 = arith.constant 0 : i32
    %dma_wait3A_117 = arith.constant 0 : i32
    %dma_wait3A_118 = tpu.memref_slice %arg6[%dma_wait3A_116, %dma_wait3A_117] : memref<4x128xf32, #tpu.memory_space<vmem_shared>> -> memref<4x128xf32, #tpu.memory_space<vmem_shared>>
    tpu.wait_indirect_dma semaphore(%arg8 : memref<!tpu.dma_semaphore, #tpu.memory_space<semaphore_mem>>) src(%dma_wait3A_118 : memref<4x128xf32, #tpu.memory_space<vmem_shared>>) dst(%dma_wait3A_112 : memref<128x128xf32, #tpu.memory_space<vmem>>)
    %dma_start3A_119 = arith.constant 3 : i32
    %dma_start3A_120 = arith.constant 3 : i32
    %dma_start3A_121 = arith.constant 0 : i32
    %dma_start3A_122 = arith.constant 0 : i32
    %dma_start3A_123 = tpu.memref_slice %arg7[%dma_start3A_120, %dma_start3A_121, %dma_start3A_122] : memref<4x128x128xf32, #tpu.memory_space<vmem>> -> memref<1x128x128xf32, #tpu.memory_space<vmem>>
    %dma_start3A_124 = tpu.memref_squeeze %dma_start3A_123 : memref<1x128x128xf32, #tpu.memory_space<vmem>> -> memref<128x128xf32, #tpu.memory_space<vmem>>
    %dma_start3A_125 = arith.constant 0 : i32
    %dma_start3A_126 = tpu.memref_slice %arg5[%dma_start3A_119, %dma_start3A_125] : memref<4x128xi32, #tpu.memory_space<vmem>> -> memref<1x128xi32, #tpu.memory_space<vmem>>
    %dma_start3A_127 = tpu.memref_squeeze %dma_start3A_126 : memref<1x128xi32, #tpu.memory_space<vmem>> -> memref<128xi32, #tpu.memory_space<vmem>>
    %dma_start3A_128 = arith.constant 0 : i32
    %dma_start3A_129 = arith.constant 0 : i32
    %dma_start3A_130 = tpu.memref_slice %arg6[%dma_start3A_128, %dma_start3A_129] : memref<4x128xf32, #tpu.memory_space<vmem_shared>> -> memref<4x128xf32, #tpu.memory_space<vmem_shared>>
    tpu.enqueue_indirect_dma source(%dma_start3A_130 : memref<4x128xf32, #tpu.memory_space<vmem_shared>>) target(%dma_start3A_124 : memref<128x128xf32, #tpu.memory_space<vmem>>) offsets(%dma_start3A_127 : memref<128xi32, #tpu.memory_space<vmem>>) semaphore(%arg8 : memref<!tpu.dma_semaphore, #tpu.memory_space<semaphore_mem>>)
    %add3A_131 = arith.constant 2 : i32
    %add3A_132 = arith.addi %mul3A_2, %add3A_131 : i32
    %dma_start3A_133 = arith.constant 2 : i32
    %dma_start3A_134 = arith.constant 0 : i32
    %dma_start3A_135 = arith.constant 0 : i32
    %dma_start3A_136 = tpu.memref_slice %arg7[%dma_start3A_133, %dma_start3A_134, %dma_start3A_135] : memref<4x128x128xf32, #tpu.memory_space<vmem>> -> memref<1x128x128xf32, #tpu.memory_space<vmem>>
    %dma_start3A_137 = tpu.memref_squeeze %dma_start3A_136 : memref<1x128x128xf32, #tpu.memory_space<vmem>> -> memref<128x128xf32, #tpu.memory_space<vmem>>
    %dma_start3A_138 = arith.constant 0 : i32
    %dma_start3A_139 = arith.constant 0 : i32
    %dma_start3A_140 = tpu.memref_slice %arg4[%add3A_132, %dma_start3A_138, %dma_start3A_139] : memref<128x128x128xf32, #tpu.memory_space<hbm>> -> memref<1x128x128xf32, #tpu.memory_space<hbm>>
    %dma_start3A_141 = tpu.memref_squeeze %dma_start3A_140 : memref<1x128x128xf32, #tpu.memory_space<hbm>> -> memref<128x128xf32, #tpu.memory_space<hbm>>
    %dma_start3A_142 = arith.constant 0 : i32
    %dma_start3A_143 = arith.constant 0 : i32
    %dma_start3A_144 = tpu.memref_slice %arg4[%add3A_132, %dma_start3A_142, %dma_start3A_143] : memref<128x128x128xf32, #tpu.memory_space<hbm>> -> memref<1x128x128xf32, #tpu.memory_space<hbm>>
    %dma_start3A_145 = tpu.memref_squeeze %dma_start3A_144 : memref<1x128x128xf32, #tpu.memory_space<hbm>> -> memref<128x128xf32, #tpu.memory_space<hbm>>
    %dma_start3A_146 = arith.constant 0 : i32
    %dma_start3A_147 = arith.constant 0 : i32
    %dma_start3A_148 = tpu.memref_slice %arg7[%dma_start3A_133, %dma_start3A_146, %dma_start3A_147] : memref<4x128x128xf32, #tpu.memory_space<vmem>> -> memref<1x128x128xf32, #tpu.memory_space<vmem>>
    %dma_start3A_149 = tpu.memref_squeeze %dma_start3A_148 : memref<1x128x128xf32, #tpu.memory_space<vmem>> -> memref<128x128xf32, #tpu.memory_space<vmem>>
    tpu.enqueue_dma source(%dma_start3A_149 : memref<128x128xf32, #tpu.memory_space<vmem>>) target(%dma_start3A_145 : memref<128x128xf32, #tpu.memory_space<hbm>>) target_semaphore(%arg9 : memref<!tpu.dma_semaphore, #tpu.memory_space<semaphore_mem>>)
    %dma_wait3A_150 = arith.constant 3 : i32
    %dma_wait3A_151 = arith.constant 3 : i32
    %dma_wait3A_152 = arith.constant 0 : i32
    %dma_wait3A_153 = arith.constant 0 : i32
    %dma_wait3A_154 = tpu.memref_slice %arg7[%dma_wait3A_151, %dma_wait3A_152, %dma_wait3A_153] : memref<4x128x128xf32, #tpu.memory_space<vmem>> -> memref<1x128x128xf32, #tpu.memory_space<vmem>>
    %dma_wait3A_155 = tpu.memref_squeeze %dma_wait3A_154 : memref<1x128x128xf32, #tpu.memory_space<vmem>> -> memref<128x128xf32, #tpu.memory_space<vmem>>
    %dma_wait3A_156 = arith.constant 0 : i32
    %dma_wait3A_157 = tpu.memref_slice %arg5[%dma_wait3A_150, %dma_wait3A_156] : memref<4x128xi32, #tpu.memory_space<vmem>> -> memref<1x128xi32, #tpu.memory_space<vmem>>
    %dma_wait3A_158 = tpu.memref_squeeze %dma_wait3A_157 : memref<1x128xi32, #tpu.memory_space<vmem>> -> memref<128xi32, #tpu.memory_space<vmem>>
    %dma_wait3A_159 = arith.constant 0 : i32
    %dma_wait3A_160 = arith.constant 0 : i32
    %dma_wait3A_161 = tpu.memref_slice %arg6[%dma_wait3A_159, %dma_wait3A_160] : memref<4x128xf32, #tpu.memory_space<vmem_shared>> -> memref<4x128xf32, #tpu.memory_space<vmem_shared>>
    tpu.wait_indirect_dma semaphore(%arg8 : memref<!tpu.dma_semaphore, #tpu.memory_space<semaphore_mem>>) src(%dma_wait3A_161 : memref<4x128xf32, #tpu.memory_space<vmem_shared>>) dst(%dma_wait3A_155 : memref<128x128xf32, #tpu.memory_space<vmem>>)
    %add3A_162 = arith.constant 3 : i32
    %add3A_163 = arith.addi %mul3A_2, %add3A_162 : i32
    %dma_start3A_164 = arith.constant 3 : i32
    %dma_start3A_165 = arith.constant 0 : i32
    %dma_start3A_166 = arith.constant 0 : i32
    %dma_start3A_167 = tpu.memref_slice %arg7[%dma_start3A_164, %dma_start3A_165, %dma_start3A_166] : memref<4x128x128xf32, #tpu.memory_space<vmem>> -> memref<1x128x128xf32, #tpu.memory_space<vmem>>
    %dma_start3A_168 = tpu.memref_squeeze %dma_start3A_167 : memref<1x128x128xf32, #tpu.memory_space<vmem>> -> memref<128x128xf32, #tpu.memory_space<vmem>>
    %dma_start3A_169 = arith.constant 0 : i32
    %dma_start3A_170 = arith.constant 0 : i32
    %dma_start3A_171 = tpu.memref_slice %arg4[%add3A_163, %dma_start3A_169, %dma_start3A_170] : memref<128x128x128xf32, #tpu.memory_space<hbm>> -> memref<1x128x128xf32, #tpu.memory_space<hbm>>
    %dma_start3A_172 = tpu.memref_squeeze %dma_start3A_171 : memref<1x128x128xf32, #tpu.memory_space<hbm>> -> memref<128x128xf32, #tpu.memory_space<hbm>>
    %dma_start3A_173 = arith.constant 0 : i32
    %dma_start3A_174 = arith.constant 0 : i32
    %dma_start3A_175 = tpu.memref_slice %arg4[%add3A_163, %dma_start3A_173, %dma_start3A_174] : memref<128x128x128xf32, #tpu.memory_space<hbm>> -> memref<1x128x128xf32, #tpu.memory_space<hbm>>
    %dma_start3A_176 = tpu.memref_squeeze %dma_start3A_175 : memref<1x128x128xf32, #tpu.memory_space<hbm>> -> memref<128x128xf32, #tpu.memory_space<hbm>>
    %dma_start3A_177 = arith.constant 0 : i32
    %dma_start3A_178 = arith.constant 0 : i32
    %dma_start3A_179 = tpu.memref_slice %arg7[%dma_start3A_164, %dma_start3A_177, %dma_start3A_178] : memref<4x128x128xf32, #tpu.memory_space<vmem>> -> memref<1x128x128xf32, #tpu.memory_space<vmem>>
    %dma_start3A_180 = tpu.memref_squeeze %dma_start3A_179 : memref<1x128x128xf32, #tpu.memory_space<vmem>> -> memref<128x128xf32, #tpu.memory_space<vmem>>
    tpu.enqueue_dma source(%dma_start3A_180 : memref<128x128xf32, #tpu.memory_space<vmem>>) target(%dma_start3A_176 : memref<128x128xf32, #tpu.memory_space<hbm>>) target_semaphore(%arg9 : memref<!tpu.dma_semaphore, #tpu.memory_space<semaphore_mem>>)
    %add3A_181 = arith.constant 0 : i32
    %add3A_182 = arith.addi %mul3A_2, %add3A_181 : i32
    %dma_wait3A_183 = arith.constant 0 : i32
    %dma_wait3A_184 = arith.constant 0 : i32
    %dma_wait3A_185 = arith.constant 0 : i32
    %dma_wait3A_186 = tpu.memref_slice %arg7[%dma_wait3A_183, %dma_wait3A_184, %dma_wait3A_185] : memref<4x128x128xf32, #tpu.memory_space<vmem>> -> memref<1x128x128xf32, #tpu.memory_space<vmem>>
    %dma_wait3A_187 = tpu.memref_squeeze %dma_wait3A_186 : memref<1x128x128xf32, #tpu.memory_space<vmem>> -> memref<128x128xf32, #tpu.memory_space<vmem>>
    %dma_wait3A_188 = arith.constant 0 : i32
    %dma_wait3A_189 = arith.constant 0 : i32
    %dma_wait3A_190 = tpu.memref_slice %arg4[%add3A_182, %dma_wait3A_188, %dma_wait3A_189] : memref<128x128x128xf32, #tpu.memory_space<hbm>> -> memref<1x128x128xf32, #tpu.memory_space<hbm>>
    %dma_wait3A_191 = tpu.memref_squeeze %dma_wait3A_190 : memref<1x128x128xf32, #tpu.memory_space<hbm>> -> memref<128x128xf32, #tpu.memory_space<hbm>>
    %dma_wait3A_192 = arith.constant 0 : i32
    %dma_wait3A_193 = arith.constant 0 : i32
    %dma_wait3A_194 = tpu.memref_slice %arg4[%add3A_182, %dma_wait3A_192, %dma_wait3A_193] : memref<128x128x128xf32, #tpu.memory_space<hbm>> -> memref<1x128x128xf32, #tpu.memory_space<hbm>>
    %dma_wait3A_195 = tpu.memref_squeeze %dma_wait3A_194 : memref<1x128x128xf32, #tpu.memory_space<hbm>> -> memref<128x128xf32, #tpu.memory_space<hbm>>
    %dma_wait3A_196 = arith.constant 0 : i32
    %dma_wait3A_197 = arith.constant 0 : i32
    %dma_wait3A_198 = tpu.memref_slice %arg7[%dma_wait3A_183, %dma_wait3A_196, %dma_wait3A_197] : memref<4x128x128xf32, #tpu.memory_space<vmem>> -> memref<1x128x128xf32, #tpu.memory_space<vmem>>
    %dma_wait3A_199 = tpu.memref_squeeze %dma_wait3A_198 : memref<1x128x128xf32, #tpu.memory_space<vmem>> -> memref<128x128xf32, #tpu.memory_space<vmem>>
    tpu.wait_dma2 semaphore(%arg9 : memref<!tpu.dma_semaphore, #tpu.memory_space<semaphore_mem>>) src(%dma_wait3A_199 : memref<128x128xf32, #tpu.memory_space<vmem>>) dst(%dma_wait3A_195 : memref<128x128xf32, #tpu.memory_space<hbm>>)
    %add3A_200 = arith.constant 1 : i32
    %add3A_201 = arith.addi %mul3A_2, %add3A_200 : i32
    %dma_wait3A_202 = arith.constant 1 : i32
    %dma_wait3A_203 = arith.constant 0 : i32
    %dma_wait3A_204 = arith.constant 0 : i32
    %dma_wait3A_205 = tpu.memref_slice %arg7[%dma_wait3A_202, %dma_wait3A_203, %dma_wait3A_204] : memref<4x128x128xf32, #tpu.memory_space<vmem>> -> memref<1x128x128xf32, #tpu.memory_space<vmem>>
    %dma_wait3A_206 = tpu.memref_squeeze %dma_wait3A_205 : memref<1x128x128xf32, #tpu.memory_space<vmem>> -> memref<128x128xf32, #tpu.memory_space<vmem>>
    %dma_wait3A_207 = arith.constant 0 : i32
    %dma_wait3A_208 = arith.constant 0 : i32
    %dma_wait3A_209 = tpu.memref_slice %arg4[%add3A_201, %dma_wait3A_207, %dma_wait3A_208] : memref<128x128x128xf32, #tpu.memory_space<hbm>> -> memref<1x128x128xf32, #tpu.memory_space<hbm>>
    %dma_wait3A_210 = tpu.memref_squeeze %dma_wait3A_209 : memref<1x128x128xf32, #tpu.memory_space<hbm>> -> memref<128x128xf32, #tpu.memory_space<hbm>>
    %dma_wait3A_211 = arith.constant 0 : i32
    %dma_wait3A_212 = arith.constant 0 : i32
    %dma_wait3A_213 = tpu.memref_slice %arg4[%add3A_201, %dma_wait3A_211, %dma_wait3A_212] : memref<128x128x128xf32, #tpu.memory_space<hbm>> -> memref<1x128x128xf32, #tpu.memory_space<hbm>>
    %dma_wait3A_214 = tpu.memref_squeeze %dma_wait3A_213 : memref<1x128x128xf32, #tpu.memory_space<hbm>> -> memref<128x128xf32, #tpu.memory_space<hbm>>
    %dma_wait3A_215 = arith.constant 0 : i32
    %dma_wait3A_216 = arith.constant 0 : i32
    %dma_wait3A_217 = tpu.memref_slice %arg7[%dma_wait3A_202, %dma_wait3A_215, %dma_wait3A_216] : memref<4x128x128xf32, #tpu.memory_space<vmem>> -> memref<1x128x128xf32, #tpu.memory_space<vmem>>
    %dma_wait3A_218 = tpu.memref_squeeze %dma_wait3A_217 : memref<1x128x128xf32, #tpu.memory_space<vmem>> -> memref<128x128xf32, #tpu.memory_space<vmem>>
    tpu.wait_dma2 semaphore(%arg9 : memref<!tpu.dma_semaphore, #tpu.memory_space<semaphore_mem>>) src(%dma_wait3A_218 : memref<128x128xf32, #tpu.memory_space<vmem>>) dst(%dma_wait3A_214 : memref<128x128xf32, #tpu.memory_space<hbm>>)
    %add3A_219 = arith.constant 2 : i32
    %add3A_220 = arith.addi %mul3A_2, %add3A_219 : i32
    %dma_wait3A_221 = arith.constant 2 : i32
    %dma_wait3A_222 = arith.constant 0 : i32
    %dma_wait3A_223 = arith.constant 0 : i32
    %dma_wait3A_224 = tpu.memref_slice %arg7[%dma_wait3A_221, %dma_wait3A_222, %dma_wait3A_223] : memref<4x128x128xf32, #tpu.memory_space<vmem>> -> memref<1x128x128xf32, #tpu.memory_space<vmem>>
    %dma_wait3A_225 = tpu.memref_squeeze %dma_wait3A_224 : memref<1x128x128xf32, #tpu.memory_space<vmem>> -> memref<128x128xf32, #tpu.memory_space<vmem>>
    %dma_wait3A_226 = arith.constant 0 : i32
    %dma_wait3A_227 = arith.constant 0 : i32
    %dma_wait3A_228 = tpu.memref_slice %arg4[%add3A_220, %dma_wait3A_226, %dma_wait3A_227] : memref<128x128x128xf32, #tpu.memory_space<hbm>> -> memref<1x128x128xf32, #tpu.memory_space<hbm>>
    %dma_wait3A_229 = tpu.memref_squeeze %dma_wait3A_228 : memref<1x128x128xf32, #tpu.memory_space<hbm>> -> memref<128x128xf32, #tpu.memory_space<hbm>>
    %dma_wait3A_230 = arith.constant 0 : i32
    %dma_wait3A_231 = arith.constant 0 : i32
    %dma_wait3A_232 = tpu.memref_slice %arg4[%add3A_220, %dma_wait3A_230, %dma_wait3A_231] : memref<128x128x128xf32, #tpu.memory_space<hbm>> -> memref<1x128x128xf32, #tpu.memory_space<hbm>>
    %dma_wait3A_233 = tpu.memref_squeeze %dma_wait3A_232 : memref<1x128x128xf32, #tpu.memory_space<hbm>> -> memref<128x128xf32, #tpu.memory_space<hbm>>
    %dma_wait3A_234 = arith.constant 0 : i32
    %dma_wait3A_235 = arith.constant 0 : i32
    %dma_wait3A_236 = tpu.memref_slice %arg7[%dma_wait3A_221, %dma_wait3A_234, %dma_wait3A_235] : memref<4x128x128xf32, #tpu.memory_space<vmem>> -> memref<1x128x128xf32, #tpu.memory_space<vmem>>
    %dma_wait3A_237 = tpu.memref_squeeze %dma_wait3A_236 : memref<1x128x128xf32, #tpu.memory_space<vmem>> -> memref<128x128xf32, #tpu.memory_space<vmem>>
    tpu.wait_dma2 semaphore(%arg9 : memref<!tpu.dma_semaphore, #tpu.memory_space<semaphore_mem>>) src(%dma_wait3A_237 : memref<128x128xf32, #tpu.memory_space<vmem>>) dst(%dma_wait3A_233 : memref<128x128xf32, #tpu.memory_space<hbm>>)
    %add3A_238 = arith.constant 3 : i32
    %add3A_239 = arith.addi %mul3A_2, %add3A_238 : i32
    %dma_wait3A_240 = arith.constant 3 : i32
    %dma_wait3A_241 = arith.constant 0 : i32
    %dma_wait3A_242 = arith.constant 0 : i32
    %dma_wait3A_243 = tpu.memref_slice %arg7[%dma_wait3A_240, %dma_wait3A_241, %dma_wait3A_242] : memref<4x128x128xf32, #tpu.memory_space<vmem>> -> memref<1x128x128xf32, #tpu.memory_space<vmem>>
    %dma_wait3A_244 = tpu.memref_squeeze %dma_wait3A_243 : memref<1x128x128xf32, #tpu.memory_space<vmem>> -> memref<128x128xf32, #tpu.memory_space<vmem>>
    %dma_wait3A_245 = arith.constant 0 : i32
    %dma_wait3A_246 = arith.constant 0 : i32
    %dma_wait3A_247 = tpu.memref_slice %arg4[%add3A_239, %dma_wait3A_245, %dma_wait3A_246] : memref<128x128x128xf32, #tpu.memory_space<hbm>> -> memref<1x128x128xf32, #tpu.memory_space<hbm>>
    %dma_wait3A_248 = tpu.memref_squeeze %dma_wait3A_247 : memref<1x128x128xf32, #tpu.memory_space<hbm>> -> memref<128x128xf32, #tpu.memory_space<hbm>>
    %dma_wait3A_249 = arith.constant 0 : i32
    %dma_wait3A_250 = arith.constant 0 : i32
    %dma_wait3A_251 = tpu.memref_slice %arg4[%add3A_239, %dma_wait3A_249, %dma_wait3A_250] : memref<128x128x128xf32, #tpu.memory_space<hbm>> -> memref<1x128x128xf32, #tpu.memory_space<hbm>>
    %dma_wait3A_252 = tpu.memref_squeeze %dma_wait3A_251 : memref<1x128x128xf32, #tpu.memory_space<hbm>> -> memref<128x128xf32, #tpu.memory_space<hbm>>
    %dma_wait3A_253 = arith.constant 0 : i32
    %dma_wait3A_254 = arith.constant 0 : i32
    %dma_wait3A_255 = tpu.memref_slice %arg7[%dma_wait3A_240, %dma_wait3A_253, %dma_wait3A_254] : memref<4x128x128xf32, #tpu.memory_space<vmem>> -> memref<1x128x128xf32, #tpu.memory_space<vmem>>
    %dma_wait3A_256 = tpu.memref_squeeze %dma_wait3A_255 : memref<1x128x128xf32, #tpu.memory_space<vmem>> -> memref<128x128xf32, #tpu.memory_space<vmem>>
    tpu.wait_dma2 semaphore(%arg9 : memref<!tpu.dma_semaphore, #tpu.memory_space<semaphore_mem>>) src(%dma_wait3A_256 : memref<128x128xf32, #tpu.memory_space<vmem>>) dst(%dma_wait3A_252 : memref<128x128xf32, #tpu.memory_space<hbm>>)
    return
  }
}

</mosaic_0001>

<sc_bundles>
// kernel: kernel.3.cloned.1.call-start
scs
__scs_entry_jumppad:
0x0: {  	(pc) =	sbr.rel $0x88, $3  }
0x1: {  	(tag) =	ssettag $0x0;
	lr =	simm.s32 $0x1  }
0x2: {  	[smem:$0x3F9F] =	sst lr;
	_ =	strace $0xD0000000  }
0x3: {  	_ = 	snop  }
0x4: {  	_ = 	snop  }
0x5: {  	_ = 	snop  }
0x6: {  	_ = 	snop  }
0x7: {  	_ = 	snop  }
__scs_overlays_trampoline_lowered:
0x8: {  	[smem:$0x3FAE] =	sst s0  }
0x9: {  	[smem:$0x3FAF] =	sst s1  }
0xa: {  	[smem:$0x3FB0] =	sst s2  }
0xb: {  	[smem:$0x3FB1] =	sst s3  }
0xc: {  	[smem:$0x3FB2] =	sst s4  }
0xd: {  	[smem:$0x3FB3] =	sst s5  }
0xe: {  	[smem:$0x3FB4] =	sst s6  }
0xf: {  	[smem:$0x3FB5] =	sst s7  }
0x10: {  	[smem:$0x3FB6] =	sst s8  }
0x11: {  	[smem:$0x3FB7] =	sst s9;
	s0 =	simm.s32 @!p0 $0x0  }
0x12: {  	s1 =	sld [smem:$0x3F9D];
	s0 =	simm.s32 @p0 $0x1  }
0x13: {  	[smem:$0x3FB8] =	sst s0;
	s0 =	simm.s32 @!p1 $0x0  }
0x14: {  	s2 =	sld [smem:$0x3F9C];
	s0 =	simm.s32 @p1 $0x1  }
0x15: {  	[smem:$0x3FB9] =	sst s0;
	s0 =	simm.s32 @!p2 $0x0  }
0x16: {  	s3 =	sld [smem:$0x3FDB];
	s0 =	simm.s32 @p2 $0x1  }
0x17: {  	s4 =	simm.s32 $0x1BF5;
	[smem:$0x3FBB] =	sst s0  }
0x18: {  	s0 =	sld [smem:$0x3F9E];
	_ =	swait.ge [sflag:s4], $0x0  }
0x19: {  	s7 =	sld [smem:$0x3F9F]  }
0x1a: {  	s8 =	sadd.s32 $0xFFFFE003, lr  }
0x1b: {  	s9 =	sadd.s32 $0xFFFFFEF7, lr;
	s5 =	simm.s32 $0xFFFFFFFF;
	p2 =	slt.u32 s8, $0xFFFFF086  }
0x1c: {  	p1 =	slt.u32 s9, $0xF7A;
	s5 =	simm.s32 @!p2 $0x0  }
0x1d: {  	s5 =	simm.s32 @p1 $0x1;
	p0 =	seq.s32 s7, s2  }
0x1e: {  	s7 =	smul.u32 @!p0 $0xF7A, s2;
	p2 =	seq.s32 @!p0 s5, $0x0  }
0x1f: {  	s9 =	smul.u32 $0xF7A, s1;
	s8 =	simm.s32 @!p0 $0x1BF5;
	p2 =	por !p2, p0  }
0x20: {  	[sflag:s8] =	ssyncset.s32 @!p0 $0xFFFFF086;
	s6 =	sadd.s32 @!p0 s3, s7;
	s7 =	simm.s32 @!p0 $0x108  }
0x21: {  	s3 =	sadd.s32 s3, s9;
	s6 =	sadd.s32 @!p0 $0x88, s6;
	s7 =	simm.s32 @p2 $0x1082  }
0x22: {  	[simem:s7], [sflag:s8] =	dma.local @!p0 [hbm:s6], $0xF7A  }
0x23: {  	s9 =	sor.u32 $0xD0000000, s2;
	s6 =	simm.s32 $0x108;
	_ =	swait.ge @!p0 [sflag:s8], $0x0  }
0x24: {  	s3 =	sadd.s32 $0x88, s3;
	s6 =	simm.s32 @!p1 $0x1082;
	[sflag:s4] =	ssyncset.s32 $0xFFFFF086  }
0x25: {  	[simem:s6], [sflag:s4] =	dma.local [hbm:s3], $0xF7A  }
0x26: {  	[smem:$0x3F9F] =	sst s1;
	(tag) =	ssettag s2;
	_ =	strace s9  }
0x27: {  	s1 =	sld [smem:$0x3FAF]  }
0x28: {  	s2 =	sld [smem:$0x3FB0]  }
0x29: {  	s4 =	sld [smem:$0x3FB2]  }
0x2a: {  	p0 =	seq.s32 s5, $0x0;
	s5 =	sld [smem:$0x3FB3]  }
0x2b: {  	s6 =	sld [smem:$0x3FB4]  }
0x2c: {  	s7 =	sld [smem:$0x3FB5]  }
0x2d: {  	s3 =	simm.s32 $0x108;
	s8 =	sld [smem:$0x3FB6]  }
0x2e: {  	s3 =	simm.s32 @!p0 $0x1082;
	s9 =	sld [smem:$0x3FB7]  }
0x2f: {  	lr =	sadd.s32 s0, s3;
	s0 =	sld [smem:$0x3FAE]  }
0x30: {  	s3 =	sld [smem:$0x3FB1]  }
0x31: {  	[smem:$0x3FBA] =	sst s10  }
0x32: {  	s10 =	sld [smem:$0x3FB8];
	_ =	sdelay $0x3  }
0x33: {  	p0 =	seq.s32 s10, $0x1;
	s10 =	sld [smem:$0x3FBA];
	_ =	sdelay $0x3  }
0x34: {  	[smem:$0x3FBA] =	sst s10  }
0x35: {  	s10 =	sld [smem:$0x3FB9];
	_ =	sdelay $0x3  }
0x36: {  	p1 =	seq.s32 s10, $0x1;
	s10 =	sld [smem:$0x3FBA];
	_ =	sdelay $0x3  }
0x37: {  	[smem:$0x3FBA] =	sst s10  }
0x38: {  	s10 =	sld [smem:$0x3FBB]  }
0x39: {  	_ = 	snop;
	(pc) =	sbr.ind lr, $3  }
0x3a: {  	_ = 	snop  }
0x3b: {  	_ = 	snop  }
0x3c: {  	p2 =	seq.s32 s10, $0x1;
	s10 =	sld [smem:$0x3FBA]  }
0x3d: {  	_ =	shalt  }
0x3e: {  	_ =	shalt  }
0x3f: {  	_ =	shalt  }
0x40: {  	_ =	shalt  }
0x41: {  	_ =	shalt  }
0x42: {  	_ =	shalt  }
0x43: {  	_ =	shalt  }
0x44: {  	_ =	shalt  }
0x45: {  	_ =	shalt  }
0x46: {  	_ =	shalt  }
0x47: {  	_ =	shalt  }
0x48: {  	_ =	shalt  }
0x49: {  	_ =	shalt  }
0x4a: {  	_ =	shalt  }
0x4b: {  	_ =	shalt  }
0x4c: {  	_ =	shalt  }
0x4d: {  	_ =	shalt  }
0x4e: {  	_ =	shalt  }
0x4f: {  	_ =	shalt  }
0x50: {  	_ =	shalt  }
0x51: {  	_ =	shalt  }
0x52: {  	_ =	shalt  }
0x53: {  	_ =	shalt  }
0x54: {  	_ =	shalt  }
0x55: {  	_ =	shalt  }
0x56: {  	_ =	shalt  }
0x57: {  	_ =	shalt  }
0x58: {  	_ =	shalt  }
0x59: {  	_ =	shalt  }
0x5a: {  	_ =	shalt  }
0x5b: {  	_ =	shalt  }
0x5c: {  	_ =	shalt  }
0x5d: {  	_ =	shalt  }
0x5e: {  	_ =	shalt  }
0x5f: {  	_ =	shalt  }
0x60: {  	_ =	shalt  }
0x61: {  	_ =	shalt  }
0x62: {  	_ =	shalt  }
0x63: {  	_ =	shalt  }
0x64: {  	_ =	shalt  }
0x65: {  	_ =	shalt  }
0x66: {  	_ =	shalt  }
0x67: {  	_ =	shalt  }
0x68: {  	_ =	shalt  }
0x69: {  	_ =	shalt  }
0x6a: {  	_ =	shalt  }
0x6b: {  	_ =	shalt  }
0x6c: {  	_ =	shalt  }
0x6d: {  	_ =	shalt  }
0x6e: {  	_ =	shalt  }
0x6f: {  	_ =	shalt  }
0x70: {  	_ =	shalt  }
0x71: {  	_ =	shalt  }
0x72: {  	_ =	shalt  }
0x73: {  	_ =	shalt  }
0x74: {  	_ =	shalt  }
0x75: {  	_ =	shalt  }
0x76: {  	_ =	shalt  }
0x77: {  	_ =	shalt  }
0x78: {  	_ =	shalt  }
0x79: {  	_ =	shalt  }
0x7a: {  	_ =	shalt  }
0x7b: {  	_ =	shalt  }
0x7c: {  	_ =	shalt  }
0x7d: {  	_ =	shalt  }
0x7e: {  	_ =	shalt  }
0x7f: {  	_ =	shalt  }
0x80: {  	_ =	shalt  }
0x81: {  	_ =	shalt  }
0x82: {  	_ =	shalt  }
0x83: {  	_ =	shalt  }
0x84: {  	_ =	shalt  }
0x85: {  	_ =	shalt  }
0x86: {  	_ =	shalt  }
0x87: {  	_ =	shalt  }
.Lfunc_end0:
.L_simem_size_0:
called_computation_lowered:
.L_overlay_start_0:
0x88: {  	s2 =	sld [smem:$0x3FD9]  }
0x89: {  	s3 =	sld [smem:$0x3FFE];
	_ =	sdelay $0x1  }
0x8a: {  	s1 =	srdreg.scid  }
0x8b: {  	s0 =	sand.u32 $0x1, s1  }
0x8c: {  	s18 =	sshll.u32 s0, $0xA;
	s2 =	sadd.s32 s3, s2  }
0x8d: {  	s2 =	sadd.s32 s2, s18  }
0x8e: {  	[smem:$0x3FC6] =	sst s2  }
0x8f: {  	_ = 	snop  }
0x90: {  	s2 =	sld [smem:$0x3FC9]  }
0x91: {  	s19 =	sld [smem:$0x3FC8]  }
0x92: {  	s4 =	sld [smem:$0x3FD0];
	(tm) =	ssettm $0x1  }
0x93: {  	s5 =	sld [smem:$0x3FFB];
	_ =	sdelay $0x3  }
0x94: {  	_ =	strace s5  }
0x95: {  	s5 =	sld [smem:$0x3FFC];
	_ =	sdelay $0x3  }
0x96: {  	_ =	strace s5  }
0x97: {  	s5 =	sld [smem:$0x3FFD];
	_ =	sdelay $0x3  }
0x98: {  	_ =	strace s5  }
0x99: {  	_ =	strace $0x8FFFFFFF  }
0x9a: {  	s20 =	sld [smem:$0x3FDB];
	_ =	sdelay $0x1  }
0x9b: {  	s6 =	simm.s32 $_scs_section_size  }
0x9c: {  	s7 =	simm.s32 $_size__tile_overlayer_lowered;
	s8 =	simm.s32 $_tile_overlayer_lowered  }
0x9d: {  	s23 =	simm.s32 $0x1BFF;
	s22 =	sshll.u32 s8, $0x1;
	s5 =	sadd.s32 s6, s20  }
0x9e: {  	s9 =	simm.s32 $0x0;
	s21 =	sshll.u32 s7, $0x1;
	s7 =	sadd.s32 s22, s5  }
0x9f: {  	[timem:s9], [sflag:s23] =	dma.local [hbm:s7], s21  }
0xa0: {  	_ =	swait.ge [sflag:s23], s21  }
0xa1: {  	s6 =	ssub.s32 $0x0, s21;
	[sflag:s23] =	ssyncset.done $0x0  }
0xa2: {  	[sflag:s23] =	ssyncadd.s32 s6;
	_ =	sdelay $0x1  }
0xa3: {  	s24 =	simm.s32 $0x1B8B  }
0xa4: {  	_ =	swait.ge [sflag:s24], $0x1  }
0xa5: {  	[sflag:s24] =	ssyncset.done $0x0  }
0xa6: {  	s25 =	simm.s32 $0x1B8E;
	[sflag:s24] =	ssyncadd.s32 $0xFFFFFFFF  }
0xa7: {  	s26 =	simm.s32 $execute0_lowered;
	[smem:$0x3FD2] =	sst s25  }
0xa8: {  	s6 =	sshll.u32 s26, $0x1;
	_ =	strace $0x80000046;
	[dreg:$0x1] =	wrdreg $0xFFFFFFFF  }
0xa9: {  	s28 =	simm.s32 $_size_execute0_lowered;
	s5 =	sadd.s32 s5, s6;
	[dreg:$0x0] =	wrdreg $0x0  }
0xaa: {  	s6 =	sshll.u32 s28, $0x1;
	[dreg:$0x2] =	wrdreg s5  }
0xab: {  	[dreg:$0x3] =	wrdreg s6  }
0xac: {  	[dreg:$0x4] =	wrdreg $0xC0  }
0xad: {  	_ =	task [dreg:s9], $0x5FFFF  }
0xae: {  	[dreg:$0x1] =	wrdreg $0xFFFFFFFF  }
0xaf: {  	[dreg:$0x0] =	wrdreg $0x60  }
0xb0: {  	[dreg:$0x2] =	wrdreg s2  }
0xb1: {  	[dreg:$0x3] =	wrdreg s19  }
0xb2: {  	[dreg:$0x4] =	wrdreg s4  }
0xb3: {  	[dreg:$0x5] =	wrdreg $0x2000  }
0xb4: {  	[dreg:$0x6] =	wrdreg $0x9  }
0xb5: {  	_ =	task.clear_ibuf [dreg:s9], $0x7FFFF;
	_ =	strace $0x90000046  }
0xb6: {  	s29 =	simm.s32 $0x9;
	_ =	strace $0x80000048  }
0xb7: {  	_ =	swait.ge [sflag:s29], $0x1  }
0xb8: {  	[sflag:s29] =	ssyncadd.s32 $0xFFFFFFFF  }
0xb9: {  	_ =	strace $0x90000048  }
0xba: {  	_ =	sfence  }
0xbb: {  	s30 =	sld [smem:$0x0];
	_ =	sdelay $0x2  }
0xbc: {  	s31 =	sshll.u32 s1, $0xD;
	s1 =	sshrl.u32 s1, $0x2  }
0xbd: {  	s3 =	sand.u32 $0x4000, s31;
	s1 =	sadd.s32 s1, s30  }
0xbe: {  	s0 =	sor.u32 s3, s0;
	s1 =	sshll.u32 s1, $0x11  }
0xbf: {  	s0 =	sor.u32 s1, s0  }
0xc0: {  	s0 =	sadd.s32 $0x8F2B, s0  }
0xc1: {  	[sflag:s0] =	ssyncadd.remote.s32 $0x1  }
0xc2: {  	_ =	sfence.sel $0xFFFF  }
0xc3: {  	[dreg:$0x0] =	wrdreg $0xFFFFFFFF;
	(pc) =	sbr.abs _section_cstart, $3  }
0xc4: {  	[dreg:$0x1] =	wrdreg $0xFFFFFFFF  }
0xc5: {  	_ =	task.clear_ibuf [dreg:s9], $0x2FFFF;
	_ =	strace $0x9FFFFFFF  }
0xc6: {  	(tm) =	ssettm $0x7FFFFFFF  }
0xc7: {  	_ =	shalt  }
tec
execute0_lowered:
.L_overlay_start_1:
0x0: {  	(tag) =	ssettag $0x1  }
0x1: {  	s6 =	rddreg [dreg:$0x0]  }
0x2: {  	s1 =	rddreg [dreg:$0x1]  }
0x3: {  	s13 =	rddreg [dreg:$0x2]  }
0x4: {  	s3 =	rddreg [dreg:$0x3]  }
0x5: {  	s0 =	rddreg [dreg:$0x4];
	s4 =	simm.s32 $0x0;
	s5 =	srdreg.scid  }
0x6: {  	s2 =	stileid.u32;
	[smem:$0x7FF] =	sst s4;
	s22 =	sand.u32 $0x1, s5  }
0x7: {  	s31 =	sshll.u32 s2, $0x6;
	s8 =	sshll.u32 s2, $0x7;
	s7 =	sshll.u32 s22, $0x6  }
0x8: {  	_ =	strace $0x80000047;
	s5 =	sor.u32 $0x1C03, s31;
	s6 =	sadd.s32 s6, s7  }
0x9: {  	s7 =	sshrl.u32 s3, $0x3;
	s6 =	sadd.s32 s8, s6;
	s8 =	simm.s32 $0x3  }
0xa: {  	[spmem:s7], [sflag:s5] =	dma.local [hbm:s1], $0x40  }
0xb: {  	[tilespmem:s4], [sflag:$0x3] =	stream.linear.gather [hbm4b:s6+s4], $0x200, $0x38;
	[tilespmem:$0x10220] =	vst v63  }
0xc: {  	_ =	swait.ge [sflag:s8], $0x40  }
0xd: {  	[sflag:s8] =	ssyncset.done $0x0  }
0xe: {  	[sflag:s8] =	ssyncadd.s32 $0xFFFFFFC0  }
0xf: {  	_ =	swait.ge [sflag:s8], $0x200  }
0x10: {  	s9 =	simm.s32 $0x80;
	[sflag:s8] =	ssyncset.done $0x0  }
0x11: {  	s10 =	simm.s32 $0x220;
	s11 =	simm.s32 $0x1;
	[sflag:s8] =	ssyncadd.s32 $0xFFFFFE00  }
0x12: {  	[tilespmem:s10], [sflag:$0x1] =	stream.indirect.gather [spmem:s3], $0x80, s4, s9, $0xb8;
	[tilespmem:$0x10220] =	vst v63  }
0x13: {  	_ =	swait.ge [sflag:s11], $0x4000  }
0x14: {  	s12 =	sshll.u32 s2, $0xE;
	s14 =	sshll.u32 s22, $0xD;
	[sflag:s11] =	ssyncset.done $0x0  }
0x15: {  	s14 =	sor.u32 s14, s12;
	s12 =	simm.s32 $0x4220;
	[sflag:s11] =	ssyncadd.s32 $0xFFFFC000  }
0x16: {  	[tilespmem:s12], [sflag:$0x1] =	stream.indirect.gather [spmem:s3], $0x80, s9, s9, $0xb8;
	[tilespmem:$0x10220] =	vst v63  }
0x17: {  	s13 =	sadd.s32 s13, s14  }
0x18: {  	[hbm4b:s13+s4] =	stream.linear.scatter [tilespmem:s10], [sflag:$0x2], $0x4000, $0x38;
	[tilespmem:$0x10220] =	vst v63  }
0x19: {  	_ =	swait.ge [sflag:s11], $0x4000  }
0x1a: {  	[sflag:s11] =	ssyncset.done $0x0  }
0x1b: {  	s15 =	simm.s32 $0x8220;
	s14 =	simm.s32 $0x100;
	[sflag:s11] =	ssyncadd.s32 $0xFFFFC000  }
0x1c: {  	[tilespmem:s15], [sflag:$0x1] =	stream.indirect.gather [spmem:s3], $0x80, s14, s9, $0xb8;
	[tilespmem:$0x10220] =	vst v63  }
0x1d: {  	s16 =	sadd.s32 $0x800, s13  }
0x1e: {  	[hbm4b:s16+s4] =	stream.linear.scatter [tilespmem:s12], [sflag:$0x2], $0x4000, $0x38;
	[tilespmem:$0x10220] =	vst v63  }
0x1f: {  	_ =	swait.ge [sflag:s11], $0x4000  }
0x20: {  	[sflag:s11] =	ssyncset.done $0x0  }
0x21: {  	s17 =	simm.s32 $0x180;
	s18 =	simm.s32 $0xC220;
	[sflag:s11] =	ssyncadd.s32 $0xFFFFC000  }
0x22: {  	[tilespmem:s18], [sflag:$0x1] =	stream.indirect.gather [spmem:s3], $0x80, s17, s9, $0xb8;
	[tilespmem:$0x10220] =	vst v63  }
0x23: {  	s19 =	sadd.s32 $0x1000, s13  }
0x24: {  	[hbm4b:s19+s4] =	stream.linear.scatter [tilespmem:s15], [sflag:$0x2], $0x4000, $0x38;
	[tilespmem:$0x10220] =	vst v63  }
0x25: {  	_ =	swait.ge [sflag:s11], $0x4000  }
0x26: {  	[sflag:s11] =	ssyncset.done $0x0  }
0x27: {  	s20 =	simm.s32 $0x2;
	s21 =	sadd.s32 $0x1800, s13;
	[sflag:s11] =	ssyncadd.s32 $0xFFFFC000  }
0x28: {  	[hbm4b:s21+s4] =	stream.linear.scatter [tilespmem:s18], [sflag:$0x2], $0x4000, $0x38;
	[tilespmem:$0x10220] =	vst v63  }
0x29: {  	_ =	swait.ge [sflag:s20], $0x4000  }
0x2a: {  	s22 =	ssub.s32 $0x2, s22;
	[sflag:s20] =	ssyncset.done $0x0  }
0x2b: {  	s23 =	sshrl.u32 s22, $0x1;
	[sflag:s20] =	ssyncadd.s32 $0xFFFFC000  }
0x2c: {  	s22 =	ssub.s32 s22, s23;
	_ =	swait.ge [sflag:s20], $0x4000  }
0x2d: {  	s22 =	smax.u32 s22, $0x1;
	[sflag:s20] =	ssyncset.done $0x0  }
0x2e: {  	p0 =	sne.s32 s22, $0x1;
	[sflag:s20] =	ssyncadd.s32 $0xFFFFC000  }
.Ltmp0:
0x2f: {  	_ =	swait.ge [sflag:s20], $0x4000;
	(pc) =	sbr.rel @!p0 .LBB2_2-.Ltmp0, $4  }
0x30: {  	[sflag:s20] =	ssyncset.done $0x0  }
0x31: {  	[sflag:s20] =	ssyncadd.s32 $0xFFFFC000  }
0x32: {  	_ =	swait.ge [sflag:s20], $0x4000  }
0x33: {  	s22 =	sadd.s32 $0xFFFFFFFF, s22;
	[sflag:s20] =	ssyncset.done $0x0  }
.LBB2_1:
0x34: {  	p0 =	sne.s32 s22, $0x1;
	s22 =	sadd.s32 $0xFFFFFFFF, s22;
	[sflag:s20] =	ssyncadd.s32 $0xFFFFC000  }
0x35: {  	[spmem:s7], [sflag:s5] =	dma.local [hbm:s1], $0x40  }
0x36: {  	[tilespmem:s4], [sflag:$0x3] =	stream.linear.gather [hbm4b:s6+s4], $0x200, $0x38;
	[tilespmem:$0x10220] =	vst v63  }
0x37: {  	_ =	swait.ge [sflag:s8], $0x40  }
0x38: {  	[sflag:s8] =	ssyncset.done $0x0  }
0x39: {  	[sflag:s8] =	ssyncadd.s32 $0xFFFFFFC0  }
0x3a: {  	_ =	swait.ge [sflag:s8], $0x200  }
0x3b: {  	[sflag:s8] =	ssyncset.done $0x0  }
0x3c: {  	[sflag:s8] =	ssyncadd.s32 $0xFFFFFE00  }
0x3d: {  	[tilespmem:s10], [sflag:$0x1] =	stream.indirect.gather [spmem:s3], $0x80, s4, s9, $0xb8;
	[tilespmem:$0x10220] =	vst v63  }
0x3e: {  	_ =	swait.ge [sflag:s11], $0x4000  }
0x3f: {  	[sflag:s11] =	ssyncset.done $0x0  }
0x40: {  	[sflag:s11] =	ssyncadd.s32 $0xFFFFC000  }
0x41: {  	[tilespmem:s12], [sflag:$0x1] =	stream.indirect.gather [spmem:s3], $0x80, s9, s9, $0xb8;
	[tilespmem:$0x10220] =	vst v63  }
0x42: {  	_ = 	snop  }
0x43: {  	[hbm4b:s13+s4] =	stream.linear.scatter [tilespmem:s10], [sflag:$0x2], $0x4000, $0x38;
	[tilespmem:$0x10220] =	vst v63  }
0x44: {  	_ =	swait.ge [sflag:s11], $0x4000  }
0x45: {  	[sflag:s11] =	ssyncset.done $0x0  }
0x46: {  	[sflag:s11] =	ssyncadd.s32 $0xFFFFC000  }
0x47: {  	[tilespmem:s15], [sflag:$0x1] =	stream.indirect.gather [spmem:s3], $0x80, s14, s9, $0xb8;
	[tilespmem:$0x10220] =	vst v63  }
0x48: {  	_ = 	snop  }
0x49: {  	[hbm4b:s16+s4] =	stream.linear.scatter [tilespmem:s12], [sflag:$0x2], $0x4000, $0x38;
	[tilespmem:$0x10220] =	vst v63  }
0x4a: {  	_ =	swait.ge [sflag:s11], $0x4000  }
0x4b: {  	[sflag:s11] =	ssyncset.done $0x0  }
0x4c: {  	[sflag:s11] =	ssyncadd.s32 $0xFFFFC000  }
0x4d: {  	[tilespmem:s18], [sflag:$0x1] =	stream.indirect.gather [spmem:s3], $0x80, s17, s9, $0xb8;
	[tilespmem:$0x10220] =	vst v63  }
0x4e: {  	_ = 	snop  }
0x4f: {  	[hbm4b:s19+s4] =	stream.linear.scatter [tilespmem:s15], [sflag:$0x2], $0x4000, $0x38;
	[tilespmem:$0x10220] =	vst v63  }
0x50: {  	_ =	swait.ge [sflag:s11], $0x4000  }
0x51: {  	[sflag:s11] =	ssyncset.done $0x0  }
0x52: {  	[sflag:s11] =	ssyncadd.s32 $0xFFFFC000  }
0x53: {  	[hbm4b:s21+s4] =	stream.linear.scatter [tilespmem:s18], [sflag:$0x2], $0x4000, $0x38;
	[tilespmem:$0x10220] =	vst v63  }
0x54: {  	_ =	swait.ge [sflag:s20], $0x4000  }
0x55: {  	[sflag:s20] =	ssyncset.done $0x0  }
0x56: {  	[sflag:s20] =	ssyncadd.s32 $0xFFFFC000  }
0x57: {  	_ =	swait.ge [sflag:s20], $0x4000  }
0x58: {  	[sflag:s20] =	ssyncset.done $0x0  }
0x59: {  	[sflag:s20] =	ssyncadd.s32 $0xFFFFC000  }
.Ltmp1:
0x5a: {  	_ =	swait.ge [sflag:s20], $0x4000;
	(pc) =	sbr.rel @p0 .LBB2_1-.Ltmp1, $4  }
0x5b: {  	[sflag:s20] =	ssyncset.done $0x0  }
0x5c: {  	[sflag:s20] =	ssyncadd.s32 $0xFFFFC000  }
0x5d: {  	_ =	swait.ge [sflag:s20], $0x4000  }
0x5e: {  	[sflag:s20] =	ssyncset.done $0x0  }
.LBB2_2:
0x5f: {  	[sflag:s20] =	ssyncadd.s32 $0xFFFFC000  }
0x60: {  	_ =	sfence.sel $0x180000  }
0x61: {  	[bflag:$0x0] =	sbarrier.arrive $0xFFFF  }
0x62: {  	p0 =	sne.s32 s2, $0x0;
	_ =	strace $0x90000047  }
0x63: {  	s0 =	sadd.s32 @!p0 $0x100000, s0;
	[bflag:$0x2] =	sbarrier.arrive $0xFFFF  }
0x64: {  	[sflag:s0] =	ssyncadd.tile.s32 @!p0 $0x1;
	_ =	shalt  }
.Lfunc_end2:
_tile_overlayer_lowered:
.L_overlay_start_2:
0x65: {  	(tag) =	ssettag $0x2  }
0x66: {  	s0 =	rddreg [dreg:$0x0];
	s2 =	stileid.u32  }
0x67: {  	s1 =	rddreg [dreg:$0x1];
	p0 =	sne.s32 s2, $0x0  }
0x68: {  	s3 =	rddreg [dreg:$0x2];
	[bflag:$0x3] =	sbarrier.arrive $0xFFFF;
	s2 =	simm.s32 @!p0 $0x1C04  }
0x69: {  	[timem:s3], [sflag:s2] =	dma.local @!p0 [hbm:s0], s1  }
0x6a: {  	s0 =	simm.s32 @!p0 $0x4  }
0x6b: {  	_ =	swait.ge @!p0 [sflag:s0], s1  }
0x6c: {  	s1 =	ssub.s32 @!p0 $0x0, s1;
	[sflag:s0] =	ssyncset.done @!p0 $0x0  }
0x6d: {  	[sflag:s0] =	ssyncadd.s32 @!p0 s1  }
0x6e: {  	[bflag:$0x3] =	sbarrier.arrive $0xFFFF  }
0x6f: {  	_ =	shalt  }

</sc_bundles>
